<compile_context>
chip_gen: v7x
topology: tpu7x:2x2x1
jax: 0.10.2.dev20260603
libtpu: 0.0.44.dev20260713+nightly
codegen_flags: <defaults>
</compile_context>

<pallas_src>
import functools

import jax
import jax.numpy as jnp
from jax import lax
from jax.experimental import pallas as pl
from jax.experimental.pallas import tpu as pltpu
from jax.experimental.pallas import tpu_sc as plsc

NC = 2
NS = 16
NW = NC * NS

NUMEL = 256 * 256 * 256
SLABS = 512
SLAB = 32768
SLABS_PER_W = SLABS // NW

_mesh = plsc.VectorSubcoreMesh(
    core_axis_name="c", subcore_axis_name="s", num_cores=NC, num_subcores=NS
)


@functools.partial(
    pl.kernel,
    out_type=jax.ShapeDtypeStruct((NUMEL,), jnp.float32),
    mesh=_mesh,
    scratch_types=[
        pltpu.VMEM((SLAB,), jnp.float32),
        pltpu.VMEM((SLAB,), jnp.float32),
    ],
    compiler_params=pltpu.CompilerParams(
        use_tc_tiling_on_sc=False, needs_layout_passes=False
    ),
)
def _fold_sc(in_hbm, out_hbm, in_v, out_v):
    wid = lax.axis_index("s") * NC + lax.axis_index("c")
    iota = lax.iota(jnp.int32, 16)
    pat = (iota & 3) * 128 + (iota >> 2)

    def do_slab(i, _):
        sl = wid * SLABS_PER_W + i
        h = sl >> 3
        kh = (sl >> 1) & 3
        half = sl & 1
        c0 = (h * 32 + half * 16) * 1024
        pltpu.sync_copy(
            in_hbm.at[pl.ds(2 * kh * 2097152 + c0, 16384)],
            in_v.at[pl.ds(0, 16384)],
        )
        pltpu.sync_copy(
            in_hbm.at[pl.ds((2 * kh + 1) * 2097152 + c0, 16384)],
            in_v.at[pl.ds(16384, 16384)],
        )

        @plsc.parallel_loop(0, SLAB // 16, unroll=8)
        def shuffle(o_i):
            q = o_i * 16
            kw = (q >> 7) & 3
            l0 = (
                (q >> 11) * 128
                + ((q >> 9) & 1) * 64
                + ((q >> 10) & 1) * 32
                + ((q >> 2) & 28)
            )
            base = (
                (kw >> 1) * 16384
                + (l0 >> 7) * 1024
                + (kw & 1) * 512
                + (l0 & 127)
            )
            out_v[pl.ds(q, 16)] = plsc.load_gather(in_v, [base + pat])

        pltpu.sync_copy(
            out_v, out_hbm.at[pl.ds((h * 4 + kh) * 65536 + half * 32768, SLAB)]
        )
        return _

    lax.fori_loop(0, SLABS_PER_W, do_slab, None)


def kernel(tensor):
    x = tensor.reshape(8, 8, 2048, 128).transpose(0, 2, 1, 3).reshape(NUMEL)
    raw = _fold_sc(x)
    return (
        raw.reshape(256, 32, 2, 8, 128)
        .transpose(0, 1, 3, 2, 4)
        .reshape(1, 1, 256, 256, 256)
    )

# --- scband reference (transcript-rebuilt; emitter-appended) ---
"""Pipeline reference for scband-fold-nd-66520453480876 (READ-ONLY COPY).

The authoritative reference and input builder live on the scoring server;
editing this copy changes nothing except your own understanding.
"""

import jax, jax.numpy as jnp
import numpy as np

OUTPUT_SIZE = (256, 256, 256)
KSIZE = 4
NUMEL = OUTPUT_SIZE[0] * OUTPUT_SIZE[1] * OUTPUT_SIZE[2]


def _folded_idx(output_size, k):
    # Faithful port of UnfoldNd applied to an index cube (disjoint 3D unfold).
    H, W, T = output_size
    idx = jnp.arange(H * W * T, dtype=jnp.int32).reshape(1, 1, H, W, T)
    # torch .unfold(dim, k, k) x3 -> (N, C, H//k, W//k, T//k, kh, kw, kt)
    a = idx.reshape(1, 1, H // k, k, W // k, k, T // k, k)
    a = a.transpose(0, 1, 2, 4, 6, 3, 5, 7)
    # collapse1 -> (N, -1, k, k, k); collapse2 -> (N, -1, k**3)
    a = a.reshape(1, -1, k ** 3)
    # collapse3 -> permute(0, 2, 1) => (N, k**3, L)
    return a.transpose(0, 2, 1)


FOLDED_IDX = _folded_idx(OUTPUT_SIZE, KSIZE)  # (1, 64, 262144)


def setup_inputs(seed: int = 0) -> dict:
    key = jax.random.key(seed)
    L = (OUTPUT_SIZE[0] // KSIZE) * (OUTPUT_SIZE[1] // KSIZE) * (OUTPUT_SIZE[2] // KSIZE)
    tensor = jax.random.normal(key, (1, KSIZE ** 3, L), dtype=jnp.float32)
    return {"tensor": tensor}


def reference(tensor):
    # output = zeros(numel); output[folded_idx] = tensor  (scatter-overwrite)
    flat_idx = FOLDED_IDX.reshape(-1)
    out = jnp.zeros((NUMEL,), dtype=tensor.dtype).at[flat_idx].set(tensor.reshape(-1))
    return out.reshape(1, 1, *OUTPUT_SIZE)

if __name__ == "__main__":
    import jax
    _d = setup_inputs()
    print(jax.jit(kernel)(*tuple(_d.values())))

</pallas_src>

<mosaic_0001>
#map = affine_map<(d0, d1) -> (0)>
module attributes {stable_mosaic.version = 14 : i64} {
  func.func @_fold_sc(%arg0: i32, %arg1: i32, %arg2: memref<16777216xf32, #tpu.memory_space<hbm>>, %arg3: memref<16777216xf32, #tpu.memory_space<hbm>>, %arg4: memref<32768xf32, #tpu.memory_space<vmem>>, %arg5: memref<32768xf32, #tpu.memory_space<vmem>>) attributes {dimension_semantics = [#tpu.dimension_semantics<core_parallel>, #tpu.dimension_semantics<subcore_parallel>], iteration_bounds = array<i64: 2, 16>, scalar_prefetch = 0 : i64, scratch_operands = 2 : i64, tpu.core_type = #tpu.core_type<sc_vector_subcore>, window_params = [{transform_indices = #map}, {transform_indices = #map}]} {
    %mul3A = arith.constant 2 : i32
    %mul3A_0 = arith.muli %arg1, %mul3A : i32
    %add3A = arith.addi %mul3A_0, %arg0 : i32
    %iota3A = tpu.iota {dimensions = array<i32: 0>} : vector<16xi32>
    %and3A = arith.constant 3 : i32
    %and3A_1 = vector.broadcast %and3A : i32 to vector<16xi32>
    %and3A_2 = arith.andi %iota3A, %and3A_1 : vector<16xi32>
    %mul3A_3 = arith.constant 128 : i32
    %mul3A_4 = vector.broadcast %mul3A_3 : i32 to vector<16xi32>
    %mul3A_5 = arith.muli %and3A_2, %mul3A_4 : vector<16xi32>
    %shift_right_arithmetic3A = arith.constant 2 : i32
    %shift_right_arithmetic3A_6 = vector.broadcast %shift_right_arithmetic3A : i32 to vector<16xi32>
    %shift_right_arithmetic3A_7 = arith.shrsi %iota3A, %shift_right_arithmetic3A_6 : vector<16xi32>
    %add3A_8 = arith.addi %mul3A_5, %shift_right_arithmetic3A_7 : vector<16xi32>
    %scan3A = arith.constant 0 : i32
    %scan3A_9 = arith.constant 16 : i32
    %scan3A_10 = arith.addi %scan3A, %scan3A_9 : i32
    %scan3A_11 = arith.constant 1 : i32
    scf.for %scan3A_13 = %scan3A to %scan3A_10 step %scan3A_11  : i32 {
      %mul3A_14 = arith.constant 16 : i32
      %mul3A_15 = arith.muli %add3A, %mul3A_14 : i32
      %add3A_16 = arith.addi %mul3A_15, %scan3A_13 : i32
      %shift_right_arithmetic3A_17 = arith.constant 3 : i32
      %shift_right_arithmetic3A_18 = arith.shrsi %add3A_16, %shift_right_arithmetic3A_17 : i32
      %shift_right_arithmetic3A_19 = arith.constant 1 : i32
      %shift_right_arithmetic3A_20 = arith.shrsi %add3A_16, %shift_right_arithmetic3A_19 : i32
      %and3A_21 = arith.constant 3 : i32
      %and3A_22 = arith.andi %shift_right_arithmetic3A_20, %and3A_21 : i32
      %and3A_23 = arith.constant 1 : i32
      %and3A_24 = arith.andi %add3A_16, %and3A_23 : i32
      %mul3A_25 = arith.constant 32 : i32
      %mul3A_26 = arith.muli %shift_right_arithmetic3A_18, %mul3A_25 : i32
      %mul3A_27 = arith.constant 16 : i32
      %mul3A_28 = arith.muli %and3A_24, %mul3A_27 : i32
      %add3A_29 = arith.addi %mul3A_26, %mul3A_28 : i32
      %mul3A_30 = arith.constant 1024 : i32
      %mul3A_31 = arith.muli %add3A_29, %mul3A_30 : i32
      %mul3A_32 = arith.constant 2 : i32
      %mul3A_33 = arith.muli %mul3A_32, %and3A_22 : i32
      %mul3A_34 = arith.constant 2097152 : i32
      %mul3A_35 = arith.muli %mul3A_33, %mul3A_34 : i32
      %add3A_36 = arith.addi %mul3A_35, %mul3A_31 : i32
      "tpu.region"() ({
        %run_scoped3A = tpu.sem_alloc : memref<!tpu.dma_semaphore, #tpu.memory_space<semaphore_mem>>
        %dma_start3A = arith.constant 0 : i32
        %dma_start3A_54 = tpu.memref_slice %arg4[%dma_start3A] : memref<32768xf32, #tpu.memory_space<vmem>> -> memref<16384xf32, #tpu.memory_space<vmem>>
        %dma_start3A_55 = tpu.memref_slice %arg2[%add3A_36] : memref<16777216xf32, #tpu.memory_space<hbm>> -> memref<16384xf32, #tpu.memory_space<hbm>>
        %dma_start3A_56 = arith.constant 0 : i32
        %dma_start3A_57 = tpu.memref_slice %arg4[%dma_start3A_56] : memref<32768xf32, #tpu.memory_space<vmem>> -> memref<16384xf32, #tpu.memory_space<vmem>>
        %dma_start3A_58 = tpu.memref_slice %arg2[%add3A_36] : memref<16777216xf32, #tpu.memory_space<hbm>> -> memref<16384xf32, #tpu.memory_space<hbm>>
        tpu.enqueue_dma source(%dma_start3A_58 : memref<16384xf32, #tpu.memory_space<hbm>>) target(%dma_start3A_57 : memref<16384xf32, #tpu.memory_space<vmem>>) target_semaphore(%run_scoped3A : memref<!tpu.dma_semaphore, #tpu.memory_space<semaphore_mem>>)
        %dma_wait3A = arith.constant 0 : i32
        %dma_wait3A_59 = tpu.memref_slice %arg4[%dma_wait3A] : memref<32768xf32, #tpu.memory_space<vmem>> -> memref<16384xf32, #tpu.memory_space<vmem>>
        %dma_wait3A_60 = tpu.memref_slice %arg2[%add3A_36] : memref<16777216xf32, #tpu.memory_space<hbm>> -> memref<16384xf32, #tpu.memory_space<hbm>>
        %dma_wait3A_61 = arith.constant 0 : i32
        %dma_wait3A_62 = tpu.memref_slice %arg4[%dma_wait3A_61] : memref<32768xf32, #tpu.memory_space<vmem>> -> memref<16384xf32, #tpu.memory_space<vmem>>
        %dma_wait3A_63 = tpu.memref_slice %arg2[%add3A_36] : memref<16777216xf32, #tpu.memory_space<hbm>> -> memref<16384xf32, #tpu.memory_space<hbm>>
        tpu.wait_dma2 semaphore(%run_scoped3A : memref<!tpu.dma_semaphore, #tpu.memory_space<semaphore_mem>>) src(%dma_wait3A_63 : memref<16384xf32, #tpu.memory_space<hbm>>) dst(%dma_wait3A_62 : memref<16384xf32, #tpu.memory_space<vmem>>)
        tpu.yield
      }) : () -> ()
      %mul3A_37 = arith.constant 2 : i32
      %mul3A_38 = arith.muli %mul3A_37, %and3A_22 : i32
      %add3A_39 = arith.constant 1 : i32
      %add3A_40 = arith.addi %mul3A_38, %add3A_39 : i32
      %mul3A_41 = arith.constant 2097152 : i32
      %mul3A_42 = arith.muli %add3A_40, %mul3A_41 : i32
      %add3A_43 = arith.addi %mul3A_42, %mul3A_31 : i32
      "tpu.region"() ({
        %run_scoped3A = tpu.sem_alloc : memref<!tpu.dma_semaphore, #tpu.memory_space<semaphore_mem>>
        %dma_start3A = arith.constant 16384 : i32
        %dma_start3A_54 = tpu.memref_slice %arg4[%dma_start3A] : memref<32768xf32, #tpu.memory_space<vmem>> -> memref<16384xf32, #tpu.memory_space<vmem>>
        %dma_start3A_55 = tpu.memref_slice %arg2[%add3A_43] : memref<16777216xf32, #tpu.memory_space<hbm>> -> memref<16384xf32, #tpu.memory_space<hbm>>
        %dma_start3A_56 = arith.constant 16384 : i32
        %dma_start3A_57 = tpu.memref_slice %arg4[%dma_start3A_56] : memref<32768xf32, #tpu.memory_space<vmem>> -> memref<16384xf32, #tpu.memory_space<vmem>>
        %dma_start3A_58 = tpu.memref_slice %arg2[%add3A_43] : memref<16777216xf32, #tpu.memory_space<hbm>> -> memref<16384xf32, #tpu.memory_space<hbm>>
        tpu.enqueue_dma source(%dma_start3A_58 : memref<16384xf32, #tpu.memory_space<hbm>>) target(%dma_start3A_57 : memref<16384xf32, #tpu.memory_space<vmem>>) target_semaphore(%run_scoped3A : memref<!tpu.dma_semaphore, #tpu.memory_space<semaphore_mem>>)
        %dma_wait3A = arith.constant 16384 : i32
        %dma_wait3A_59 = tpu.memref_slice %arg4[%dma_wait3A] : memref<32768xf32, #tpu.memory_space<vmem>> -> memref<16384xf32, #tpu.memory_space<vmem>>
        %dma_wait3A_60 = tpu.memref_slice %arg2[%add3A_43] : memref<16777216xf32, #tpu.memory_space<hbm>> -> memref<16384xf32, #tpu.memory_space<hbm>>
        %dma_wait3A_61 = arith.constant 16384 : i32
        %dma_wait3A_62 = tpu.memref_slice %arg4[%dma_wait3A_61] : memref<32768xf32, #tpu.memory_space<vmem>> -> memref<16384xf32, #tpu.memory_space<vmem>>
        %dma_wait3A_63 = tpu.memref_slice %arg2[%add3A_43] : memref<16777216xf32, #tpu.memory_space<hbm>> -> memref<16384xf32, #tpu.memory_space<hbm>>
        tpu.wait_dma2 semaphore(%run_scoped3A : memref<!tpu.dma_semaphore, #tpu.memory_space<semaphore_mem>>) src(%dma_wait3A_63 : memref<16384xf32, #tpu.memory_space<hbm>>) dst(%dma_wait3A_62 : memref<16384xf32, #tpu.memory_space<vmem>>)
        tpu.yield
      }) : () -> ()
      %parallel_loop3A = arith.constant 0 : i32
      %parallel_loop3A_44 = arith.constant 2048 : i32
      %parallel_loop3A_45 = arith.constant 1 : i32
      scf.for %parallel_loop3A_54 = %parallel_loop3A to %parallel_loop3A_44 step %parallel_loop3A_45  : i32 {
        %parallel_loop3A_55 = arith.constant 16 : i32
        %parallel_loop3A_56 = arith.muli %parallel_loop3A_54, %parallel_loop3A_55 : i32
        %parallel_loop3A_57 = arith.constant 7 : i32
        %parallel_loop3A_58 = arith.shrsi %parallel_loop3A_56, %parallel_loop3A_57 : i32
        %parallel_loop3A_59 = arith.constant 3 : i32
        %parallel_loop3A_60 = arith.andi %parallel_loop3A_58, %parallel_loop3A_59 : i32
        %parallel_loop3A_61 = arith.constant 11 : i32
        %parallel_loop3A_62 = arith.shrsi %parallel_loop3A_56, %parallel_loop3A_61 : i32
        %parallel_loop3A_63 = arith.constant 128 : i32
        %parallel_loop3A_64 = arith.muli %parallel_loop3A_62, %parallel_loop3A_63 : i32
        %parallel_loop3A_65 = arith.constant 9 : i32
        %parallel_loop3A_66 = arith.shrsi %parallel_loop3A_56, %parallel_loop3A_65 : i32
        %parallel_loop3A_67 = arith.constant 1 : i32
        %parallel_loop3A_68 = arith.andi %parallel_loop3A_66, %parallel_loop3A_67 : i32
        %parallel_loop3A_69 = arith.constant 64 : i32
        %parallel_loop3A_70 = arith.muli %parallel_loop3A_68, %parallel_loop3A_69 : i32
        %parallel_loop3A_71 = arith.addi %parallel_loop3A_64, %parallel_loop3A_70 : i32
        %parallel_loop3A_72 = arith.constant 10 : i32
        %parallel_loop3A_73 = arith.shrsi %parallel_loop3A_56, %parallel_loop3A_72 : i32
        %parallel_loop3A_74 = arith.constant 1 : i32
        %parallel_loop3A_75 = arith.andi %parallel_loop3A_73, %parallel_loop3A_74 : i32
        %parallel_loop3A_76 = arith.constant 32 : i32
        %parallel_loop3A_77 = arith.muli %parallel_loop3A_75, %parallel_loop3A_76 : i32
        %parallel_loop3A_78 = arith.addi %parallel_loop3A_71, %parallel_loop3A_77 : i32
        %parallel_loop3A_79 = arith.constant 2 : i32
        %parallel_loop3A_80 = arith.shrsi %parallel_loop3A_56, %parallel_loop3A_79 : i32
        %parallel_loop3A_81 = arith.constant 28 : i32
        %parallel_loop3A_82 = arith.andi %parallel_loop3A_80, %parallel_loop3A_81 : i32
        %parallel_loop3A_83 = arith.addi %parallel_loop3A_78, %parallel_loop3A_82 : i32
        %parallel_loop3A_84 = arith.constant 1 : i32
        %parallel_loop3A_85 = arith.shrsi %parallel_loop3A_60, %parallel_loop3A_84 : i32
        %parallel_loop3A_86 = arith.constant 16384 : i32
        %parallel_loop3A_87 = arith.muli %parallel_loop3A_85, %parallel_loop3A_86 : i32
        %parallel_loop3A_88 = arith.constant 7 : i32
        %parallel_loop3A_89 = arith.shrsi %parallel_loop3A_83, %parallel_loop3A_88 : i32
        %parallel_loop3A_90 = arith.constant 1024 : i32
        %parallel_loop3A_91 = arith.muli %parallel_loop3A_89, %parallel_loop3A_90 : i32
        %parallel_loop3A_92 = arith.addi %parallel_loop3A_87, %parallel_loop3A_91 : i32
        %parallel_loop3A_93 = arith.constant 1 : i32
        %parallel_loop3A_94 = arith.andi %parallel_loop3A_60, %parallel_loop3A_93 : i32
        %parallel_loop3A_95 = arith.constant 512 : i32
        %parallel_loop3A_96 = arith.muli %parallel_loop3A_94, %parallel_loop3A_95 : i32
        %parallel_loop3A_97 = arith.addi %parallel_loop3A_92, %parallel_loop3A_96 : i32
        %parallel_loop3A_98 = arith.constant 127 : i32
        %parallel_loop3A_99 = arith.andi %parallel_loop3A_83, %parallel_loop3A_98 : i32
        %parallel_loop3A_100 = arith.addi %parallel_loop3A_97, %parallel_loop3A_99 : i32
        %parallel_loop3A_101 = vector.broadcast %parallel_loop3A_100 : i32 to vector<16xi32>
        %parallel_loop3A_102 = arith.addi %parallel_loop3A_101, %add3A_8 : vector<16xi32>
        %parallel_loop3A_103 = tpu.vector_load_idx %arg4[%parallel_loop3A_102] : memref<32768xf32, #tpu.memory_space<vmem>>[vector<16xi32>], vector<16xf32>,
        %parallel_loop3A_104 = arith.index_cast %parallel_loop3A_56 : i32 to index
        %parallel_loop3A_105 = tpu.vector_load %arg5[%parallel_loop3A_104] {strides = array<i32>} : memref<32768xf32, #tpu.memory_space<vmem>>, vector<16xf32>,
        tpu.vector_store %arg5[%parallel_loop3A_104], %parallel_loop3A_103 {strides = array<i32>} : memref<32768xf32, #tpu.memory_space<vmem>>, vector<16xf32>,
      } {sc.loop_unroll_factor = 8 : i64, sc.parallel_access}
      %mul3A_46 = arith.constant 4 : i32
      %mul3A_47 = arith.muli %shift_right_arithmetic3A_18, %mul3A_46 : i32
      %add3A_48 = arith.addi %mul3A_47, %and3A_22 : i32
      %mul3A_49 = arith.constant 65536 : i32
      %mul3A_50 = arith.muli %add3A_48, %mul3A_49 : i32
      %mul3A_51 = arith.constant 32768 : i32
      %mul3A_52 = arith.muli %and3A_24, %mul3A_51 : i32
      %add3A_53 = arith.addi %mul3A_50, %mul3A_52 : i32
      "tpu.region"() ({
        %run_scoped3A = tpu.sem_alloc : memref<!tpu.dma_semaphore, #tpu.memory_space<semaphore_mem>>
        %dma_start3A = tpu.memref_slice %arg3[%add3A_53] : memref<16777216xf32, #tpu.memory_space<hbm>> -> memref<32768xf32, #tpu.memory_space<hbm>>
        %dma_start3A_54 = tpu.memref_slice %arg3[%add3A_53] : memref<16777216xf32, #tpu.memory_space<hbm>> -> memref<32768xf32, #tpu.memory_space<hbm>>
        tpu.enqueue_dma source(%arg5 : memref<32768xf32, #tpu.memory_space<vmem>>) target(%dma_start3A_54 : memref<32768xf32, #tpu.memory_space<hbm>>) target_semaphore(%run_scoped3A : memref<!tpu.dma_semaphore, #tpu.memory_space<semaphore_mem>>)
        %dma_wait3A = tpu.memref_slice %arg3[%add3A_53] : memref<16777216xf32, #tpu.memory_space<hbm>> -> memref<32768xf32, #tpu.memory_space<hbm>>
        %dma_wait3A_55 = tpu.memref_slice %arg3[%add3A_53] : memref<16777216xf32, #tpu.memory_space<hbm>> -> memref<32768xf32, #tpu.memory_space<hbm>>
        tpu.wait_dma2 semaphore(%run_scoped3A : memref<!tpu.dma_semaphore, #tpu.memory_space<semaphore_mem>>) src(%arg5 : memref<32768xf32, #tpu.memory_space<vmem>>) dst(%dma_wait3A_55 : memref<32768xf32, #tpu.memory_space<hbm>>)
        tpu.yield
      }) : () -> ()
    }
    %scan3A_12 = arith.constant 16 : i32
    return
  }
}

</mosaic_0001>

<sc_bundles>
// kernel: kernel.3.cloned.1.call-start
scs
__scs_entry_jumppad:
0x0: {  	(pc) =	sbr.rel $0x88, $3  }
0x1: {  	(tag) =	ssettag $0x0;
	lr =	simm.s32 $0x1  }
0x2: {  	[smem:$0x3FA0] =	sst lr;
	_ =	strace $0xD0000000  }
0x3: {  	_ = 	snop  }
0x4: {  	_ = 	snop  }
0x5: {  	_ = 	snop  }
0x6: {  	_ = 	snop  }
0x7: {  	_ = 	snop  }
__scs_overlays_trampoline_lowered:
0x8: {  	[smem:$0x3FAF] =	sst s0  }
0x9: {  	[smem:$0x3FB0] =	sst s1  }
0xa: {  	[smem:$0x3FB1] =	sst s2  }
0xb: {  	[smem:$0x3FB2] =	sst s3  }
0xc: {  	[smem:$0x3FB3] =	sst s4  }
0xd: {  	[smem:$0x3FB4] =	sst s5  }
0xe: {  	[smem:$0x3FB5] =	sst s6  }
0xf: {  	[smem:$0x3FB6] =	sst s7  }
0x10: {  	[smem:$0x3FB7] =	sst s8  }
0x11: {  	[smem:$0x3FB8] =	sst s9;
	s0 =	simm.s32 @!p0 $0x0  }
0x12: {  	s1 =	sld [smem:$0x3F9E];
	s0 =	simm.s32 @p0 $0x1  }
0x13: {  	[smem:$0x3FB9] =	sst s0;
	s0 =	simm.s32 @!p1 $0x0  }
0x14: {  	s2 =	sld [smem:$0x3F9D];
	s0 =	simm.s32 @p1 $0x1  }
0x15: {  	[smem:$0x3FBA] =	sst s0;
	s0 =	simm.s32 @!p2 $0x0  }
0x16: {  	s3 =	sld [smem:$0x3FDB];
	s0 =	simm.s32 @p2 $0x1  }
0x17: {  	s4 =	simm.s32 $0x1BF5;
	[smem:$0x3FBC] =	sst s0  }
0x18: {  	s0 =	sld [smem:$0x3F9F];
	_ =	swait.ge [sflag:s4], $0x0  }
0x19: {  	s7 =	sld [smem:$0x3FA0]  }
0x1a: {  	s8 =	sadd.s32 $0xFFFFE003, lr  }
0x1b: {  	s9 =	sadd.s32 $0xFFFFFEF7, lr;
	s5 =	simm.s32 $0xFFFFFFFF;
	p2 =	slt.u32 s8, $0xFFFFF086  }
0x1c: {  	p1 =	slt.u32 s9, $0xF7A;
	s5 =	simm.s32 @!p2 $0x0  }
0x1d: {  	s5 =	simm.s32 @p1 $0x1;
	p0 =	seq.s32 s7, s2  }
0x1e: {  	s7 =	smul.u32 @!p0 $0xF7A, s2;
	p2 =	seq.s32 @!p0 s5, $0x0  }
0x1f: {  	s9 =	smul.u32 $0xF7A, s1;
	s8 =	simm.s32 @!p0 $0x1BF5;
	p2 =	por !p2, p0  }
0x20: {  	[sflag:s8] =	ssyncset.s32 @!p0 $0xFFFFF086;
	s6 =	sadd.s32 @!p0 s3, s7;
	s7 =	simm.s32 @!p0 $0x108  }
0x21: {  	s3 =	sadd.s32 s3, s9;
	s6 =	sadd.s32 @!p0 $0x88, s6;
	s7 =	simm.s32 @p2 $0x1082  }
0x22: {  	[simem:s7], [sflag:s8] =	dma.local @!p0 [hbm:s6], $0xF7A  }
0x23: {  	s9 =	sor.u32 $0xD0000000, s2;
	s6 =	simm.s32 $0x108;
	_ =	swait.ge @!p0 [sflag:s8], $0x0  }
0x24: {  	s3 =	sadd.s32 $0x88, s3;
	s6 =	simm.s32 @!p1 $0x1082;
	[sflag:s4] =	ssyncset.s32 $0xFFFFF086  }
0x25: {  	[simem:s6], [sflag:s4] =	dma.local [hbm:s3], $0xF7A  }
0x26: {  	[smem:$0x3FA0] =	sst s1;
	(tag) =	ssettag s2;
	_ =	strace s9  }
0x27: {  	s1 =	sld [smem:$0x3FB0]  }
0x28: {  	s2 =	sld [smem:$0x3FB1]  }
0x29: {  	s4 =	sld [smem:$0x3FB3]  }
0x2a: {  	p0 =	seq.s32 s5, $0x0;
	s5 =	sld [smem:$0x3FB4]  }
0x2b: {  	s6 =	sld [smem:$0x3FB5]  }
0x2c: {  	s7 =	sld [smem:$0x3FB6]  }
0x2d: {  	s3 =	simm.s32 $0x108;
	s8 =	sld [smem:$0x3FB7]  }
0x2e: {  	s3 =	simm.s32 @!p0 $0x1082;
	s9 =	sld [smem:$0x3FB8]  }
0x2f: {  	lr =	sadd.s32 s0, s3;
	s0 =	sld [smem:$0x3FAF]  }
0x30: {  	s3 =	sld [smem:$0x3FB2]  }
0x31: {  	[smem:$0x3FBB] =	sst s10  }
0x32: {  	s10 =	sld [smem:$0x3FB9];
	_ =	sdelay $0x3  }
0x33: {  	p0 =	seq.s32 s10, $0x1;
	s10 =	sld [smem:$0x3FBB];
	_ =	sdelay $0x3  }
0x34: {  	[smem:$0x3FBB] =	sst s10  }
0x35: {  	s10 =	sld [smem:$0x3FBA];
	_ =	sdelay $0x3  }
0x36: {  	p1 =	seq.s32 s10, $0x1;
	s10 =	sld [smem:$0x3FBB];
	_ =	sdelay $0x3  }
0x37: {  	[smem:$0x3FBB] =	sst s10  }
0x38: {  	s10 =	sld [smem:$0x3FBC]  }
0x39: {  	_ = 	snop;
	(pc) =	sbr.ind lr, $3  }
0x3a: {  	_ = 	snop  }
0x3b: {  	_ = 	snop  }
0x3c: {  	p2 =	seq.s32 s10, $0x1;
	s10 =	sld [smem:$0x3FBB]  }
0x3d: {  	_ =	shalt  }
0x3e: {  	_ =	shalt  }
0x3f: {  	_ =	shalt  }
0x40: {  	_ =	shalt  }
0x41: {  	_ =	shalt  }
0x42: {  	_ =	shalt  }
0x43: {  	_ =	shalt  }
0x44: {  	_ =	shalt  }
0x45: {  	_ =	shalt  }
0x46: {  	_ =	shalt  }
0x47: {  	_ =	shalt  }
0x48: {  	_ =	shalt  }
0x49: {  	_ =	shalt  }
0x4a: {  	_ =	shalt  }
0x4b: {  	_ =	shalt  }
0x4c: {  	_ =	shalt  }
0x4d: {  	_ =	shalt  }
0x4e: {  	_ =	shalt  }
0x4f: {  	_ =	shalt  }
0x50: {  	_ =	shalt  }
0x51: {  	_ =	shalt  }
0x52: {  	_ =	shalt  }
0x53: {  	_ =	shalt  }
0x54: {  	_ =	shalt  }
0x55: {  	_ =	shalt  }
0x56: {  	_ =	shalt  }
0x57: {  	_ =	shalt  }
0x58: {  	_ =	shalt  }
0x59: {  	_ =	shalt  }
0x5a: {  	_ =	shalt  }
0x5b: {  	_ =	shalt  }
0x5c: {  	_ =	shalt  }
0x5d: {  	_ =	shalt  }
0x5e: {  	_ =	shalt  }
0x5f: {  	_ =	shalt  }
0x60: {  	_ =	shalt  }
0x61: {  	_ =	shalt  }
0x62: {  	_ =	shalt  }
0x63: {  	_ =	shalt  }
0x64: {  	_ =	shalt  }
0x65: {  	_ =	shalt  }
0x66: {  	_ =	shalt  }
0x67: {  	_ =	shalt  }
0x68: {  	_ =	shalt  }
0x69: {  	_ =	shalt  }
0x6a: {  	_ =	shalt  }
0x6b: {  	_ =	shalt  }
0x6c: {  	_ =	shalt  }
0x6d: {  	_ =	shalt  }
0x6e: {  	_ =	shalt  }
0x6f: {  	_ =	shalt  }
0x70: {  	_ =	shalt  }
0x71: {  	_ =	shalt  }
0x72: {  	_ =	shalt  }
0x73: {  	_ =	shalt  }
0x74: {  	_ =	shalt  }
0x75: {  	_ =	shalt  }
0x76: {  	_ =	shalt  }
0x77: {  	_ =	shalt  }
0x78: {  	_ =	shalt  }
0x79: {  	_ =	shalt  }
0x7a: {  	_ =	shalt  }
0x7b: {  	_ =	shalt  }
0x7c: {  	_ =	shalt  }
0x7d: {  	_ =	shalt  }
0x7e: {  	_ =	shalt  }
0x7f: {  	_ =	shalt  }
0x80: {  	_ =	shalt  }
0x81: {  	_ =	shalt  }
0x82: {  	_ =	shalt  }
0x83: {  	_ =	shalt  }
0x84: {  	_ =	shalt  }
0x85: {  	_ =	shalt  }
0x86: {  	_ =	shalt  }
0x87: {  	_ =	shalt  }
.Lfunc_end0:
.L_simem_size_0:
called_computation_lowered:
.L_overlay_start_0:
0x88: {  	s2 =	sld [smem:$0x3FD9]  }
0x89: {  	s3 =	sld [smem:$0x3FFE];
	_ =	sdelay $0x1  }
0x8a: {  	s1 =	srdreg.scid  }
0x8b: {  	s0 =	sand.u32 $0x1, s1  }
0x8c: {  	s18 =	sshll.u32 s0, $0xA;
	s2 =	sadd.s32 s3, s2  }
0x8d: {  	s2 =	sadd.s32 s2, s18  }
0x8e: {  	[smem:$0x3FC7] =	sst s2  }
0x8f: {  	_ = 	snop  }
0x90: {  	s2 =	sld [smem:$0x3FC9]  }
0x91: {  	s19 =	sld [smem:$0x3FD0];
	(tm) =	ssettm $0x1  }
0x92: {  	s4 =	sld [smem:$0x3FFB];
	_ =	sdelay $0x3  }
0x93: {  	_ =	strace s4  }
0x94: {  	s4 =	sld [smem:$0x3FFC];
	_ =	sdelay $0x3  }
0x95: {  	_ =	strace s4  }
0x96: {  	s4 =	sld [smem:$0x3FFD];
	_ =	sdelay $0x3  }
0x97: {  	_ =	strace s4  }
0x98: {  	_ =	strace $0x8FFFFFFF  }
0x99: {  	s20 =	sld [smem:$0x3FDB];
	_ =	sdelay $0x1  }
0x9a: {  	s5 =	simm.s32 $_scs_section_size  }
0x9b: {  	s6 =	simm.s32 $_size__tile_overlayer_lowered;
	s7 =	simm.s32 $_tile_overlayer_lowered  }
0x9c: {  	s23 =	simm.s32 $0x1BFF;
	s22 =	sshll.u32 s7, $0x1;
	s4 =	sadd.s32 s5, s20  }
0x9d: {  	s8 =	simm.s32 $0x0;
	s21 =	sshll.u32 s6, $0x1;
	s6 =	sadd.s32 s22, s4  }
0x9e: {  	[timem:s8], [sflag:s23] =	dma.local [hbm:s6], s21  }
0x9f: {  	_ =	swait.ge [sflag:s23], s21  }
0xa0: {  	s5 =	ssub.s32 $0x0, s21;
	[sflag:s23] =	ssyncset.done $0x0  }
0xa1: {  	[sflag:s23] =	ssyncadd.s32 s5;
	_ =	sdelay $0x1  }
0xa2: {  	s24 =	simm.s32 $0x1B8B  }
0xa3: {  	_ =	swait.ge [sflag:s24], $0x1  }
0xa4: {  	[sflag:s24] =	ssyncset.done $0x0  }
0xa5: {  	s25 =	simm.s32 $0x1B8E;
	[sflag:s24] =	ssyncadd.s32 $0xFFFFFFFF  }
0xa6: {  	s26 =	simm.s32 $execute0_lowered;
	[smem:$0x3FD2] =	sst s25  }
0xa7: {  	s5 =	sshll.u32 s26, $0x1;
	_ =	strace $0x80000046;
	[dreg:$0x1] =	wrdreg $0xFFFFFFFF  }
0xa8: {  	s28 =	simm.s32 $_size_execute0_lowered;
	s4 =	sadd.s32 s4, s5;
	[dreg:$0x0] =	wrdreg $0x0  }
0xa9: {  	s5 =	sshll.u32 s28, $0x1;
	[dreg:$0x2] =	wrdreg s4  }
0xaa: {  	[dreg:$0x3] =	wrdreg s5  }
0xab: {  	[dreg:$0x4] =	wrdreg $0xC0  }
0xac: {  	_ =	task [dreg:s8], $0x5FFFF  }
0xad: {  	[dreg:$0x1] =	wrdreg $0xFFFFFFFF  }
0xae: {  	[dreg:$0x0] =	wrdreg $0x60  }
0xaf: {  	[dreg:$0x2] =	wrdreg s2  }
0xb0: {  	[dreg:$0x3] =	wrdreg s19  }
0xb1: {  	[dreg:$0x4] =	wrdreg $0x9  }
0xb2: {  	_ =	task.clear_ibuf [dreg:s8], $0x5FFFF;
	_ =	strace $0x90000046  }
0xb3: {  	s29 =	simm.s32 $0x9;
	_ =	strace $0x80000048  }
0xb4: {  	_ =	swait.ge [sflag:s29], $0x1  }
0xb5: {  	[sflag:s29] =	ssyncadd.s32 $0xFFFFFFFF  }
0xb6: {  	_ =	strace $0x90000048  }
0xb7: {  	_ =	sfence  }
0xb8: {  	s30 =	sld [smem:$0x0];
	_ =	sdelay $0x2  }
0xb9: {  	s31 =	sshll.u32 s1, $0xD;
	s1 =	sshrl.u32 s1, $0x2  }
0xba: {  	s3 =	sand.u32 $0x4000, s31;
	s1 =	sadd.s32 s1, s30  }
0xbb: {  	s0 =	sor.u32 s3, s0;
	s1 =	sshll.u32 s1, $0x11  }
0xbc: {  	s0 =	sor.u32 s1, s0  }
0xbd: {  	s0 =	sadd.s32 $0x8F2B, s0  }
0xbe: {  	[sflag:s0] =	ssyncadd.remote.s32 $0x1  }
0xbf: {  	_ =	sfence.sel $0xFFFF  }
0xc0: {  	[dreg:$0x0] =	wrdreg $0xFFFFFFFF;
	(pc) =	sbr.abs _section_cstart, $3  }
0xc1: {  	[dreg:$0x1] =	wrdreg $0xFFFFFFFF  }
0xc2: {  	_ =	task.clear_ibuf [dreg:s8], $0x2FFFF;
	_ =	strace $0x9FFFFFFF  }
0xc3: {  	(tm) =	ssettm $0x7FFFFFFF  }
tec
execute0_lowered:
.L_overlay_start_1:
0x0: {  	(tag) =	ssettag $0x1  }
0x1: {  	v0 =	vimm.s32 $0x183;
	vm0 =	vcmask $0x300  }
0x2: {  	vm14 =	vcmask $0x704;
	v0 =	vsel vm0, $0x0, v0  }
0x3: {  	vm15 =	vcmask $0xB08;
	v0 =	vsel vm14, $0x80, v0  }
0x4: {  	vm4 =	vcmask $0xF0C;
	v0 =	vsel vm15, $0x100, v0  }
0x5: {  	vm5 =	vcmask $0x1310;
	v0 =	vsel vm4, $0x180, v0  }
0x6: {  	vm6 =	vcmask $0x1714;
	v0 =	vsel vm5, $0x1, v0  }
0x7: {  	vm7 =	vcmask $0x1B18;
	v0 =	vsel vm6, $0x81, v0  }
0x8: {  	vm8 =	vcmask $0x1F1C;
	v0 =	vsel vm7, $0x101, v0  }
0x9: {  	s0 =	rddreg [dreg:$0x0];
	vm9 =	vcmask $0x2320;
	v0 =	vsel vm8, $0x181, v0  }
0xa: {  	s2 =	rddreg [dreg:$0x1];
	s4 =	srdreg.scid;
	vm10 =	vcmask $0x2724;
	v0 =	vsel vm9, $0x2, v0  }
0xb: {  	s1 =	rddreg [dreg:$0x2];
	s3 =	simm.s32 $0x0;
	vm11 =	vcmask $0x2B28;
	s9 =	simm.s32 $0x4000;
	v0 =	vsel vm10, $0x82, v0  }
0xc: {  	vm12 =	vcmask $0x2F2C;
	s10 =	simm.s32 $0x8000;
	s11 =	simm.s32 $0x0;
	s5 =	sand.u32 $0x1, s4;
	v0 =	vsel vm11, $0x102, v0  }
0xd: {  	vm13 =	vcmask $0x3330;
	[smem:$0x7FF] =	sst s3;
	s4 =	stileid.u32;
	s6 =	ssub.s32 $0x2, s5;
	v0 =	vsel vm12, $0x182, v0  }
0xe: {  	s8 =	sshll.u32 s4, $0x5;
	s5 =	sshll.u32 s5, $0x4;
	vm14 =	vcmask $0x3734;
	s7 =	sshrl.u32 s6, $0x1;
	v0 =	vsel vm13, $0x3, v0  }
0xf: {  	_ =	strace $0x80000047;
	s5 =	sor.u32 s5, s8;
	vm15 =	vcmask $0x3B38;
	s7 =	ssub.s32 s6, s7;
	v0 =	vsel vm14, $0x83, v0  }
0x10: {  	s8 =	simm.s32 $0x1;
	s6 =	sadd.s32 $0x40000, s0;
	s7 =	smax.u32 s7, $0x1;
	v0 =	vsel vm15, $0x103, v0  }
.LBB2_1:
0x11: {  	s12 =	simm.s32 $0x0  }
.LBB2_2:
0x12: {  	s13 =	sshrl.u32 s12, $0x1  }
0x13: {  	s14 =	sadd.s32 s5, s12;
	s15 =	sand.u32 $0x1, s12;
	s13 =	sand.u32 $0x3, s13  }
0x14: {  	s14 =	sshll.u32 s14, $0xC;
	s17 =	sshll.u32 s15, $0xE;
	s16 =	sshll.u32 s13, $0x16  }
0x15: {  	s14 =	sand.u32 $0x1F8000, s14;
	s16 =	sor.u32 s16, s17  }
0x16: {  	s16 =	sor.u32 s14, s16  }
0x17: {  	s16 =	sshrl.u32 s16, $0x3  }
0x18: {  	s18 =	simm.s32 $0x0;
	s24 =	sadd.s32 s0, s16  }
0x19: {  	[tilespmem:s18], [sflag:$0x1] =	stream.linear.gather [hbm4b:s24+s18], $0x4000, $0x38;
	[tilespmem:$0x10000] =	vst v63  }
0x1a: {  	_ =	swait.ge [sflag:s8], $0x4000  }
0x1b: {  	s25 =	sand.u32 $0x40, s18;
	s26 =	sand.u32 $0x4000, s18;
	[sflag:s8] =	ssyncset.done $0x0  }
0x1c: {  	s19 =	sand.u32 $0x3C00, s18;
	s16 =	sadd.s32 s16, s6;
	[sflag:s8] =	ssyncadd.s32 $0xFFFFC000  }
0x1d: {  	[tilespmem:s9], [sflag:$0x1] =	stream.linear.gather [hbm4b:s16+s18], $0x4000, $0x38;
	[tilespmem:$0x10000] =	vst v63  }
0x1e: {  	s20 =	sand.u32 $0x20, s18;
	s17 =	sor.u32 s19, s26;
	s18 =	sand.u32 $0x200, s18  }
0x1f: {  	s16 =	sor.u32 s20, s25;
	s17 =	sor.u32 s18, s17  }
0x20: {  	s19 =	simm.s32 $0x10;
	s21 =	sor.u32 s16, s17  }
0x21: {  	s29 =	sand.u32 $0x40, s19;
	s20 =	simm.s32 $0x2000;
	v1 =	vor.u32 s21, v0;
	s16 =	sor.u32 $0xC, s21  }
0x22: {  	_ =	swait.ge [sflag:s8], $0x4000;
	s18 =	simm.s32 $0x40;
	s17 =	sor.u32 $0x4, s21;
	v2 =	vor.u32 s16, v0  }
0x23: {  	s24 =	sand.u32 $0x4000, s20;
	[sflag:s8] =	ssyncset.done $0x0;
	s28 =	sor.u32 $0x1C, s21;
	v3 =	vor.u32 s17, v0  }
0x24: {  	s25 =	sand.u32 $0x3C00, s18;
	[sflag:s8] =	ssyncadd.s32 $0xFFFFC000;
	s22 =	sor.u32 $0x8, s21;
	v5 =	vor.u32 s28, v0  }
0x25: {  	s23 =	sor.u32 $0x14, s21;
	s16 =	simm.s32 $0x4;
	s17 =	simm.s32 $0x200;
	v8 =	vor.u32 s22, v0  }
0x26: {  	s24 =	sor.u32 s25, s24;
	v14 =	vor.u32 s23, v0;
	s30 =	sand.u32 $0x20, s16;
	s31 =	sand.u32 $0x200, s17;
	v4 =	vld.idx.msk [tilespmem:v1+s3+$0x0], $0xffff  }
0x27: {  	s26 =	sor.u32 $0x10, s21;
	s22 =	sor.u32 s30, s29;
	s24 =	sor.u32 s31, s24;
	v6 =	vld.idx.msk [tilespmem:v2+s3+$0x0], $0xffff  }
0x28: {  	s25 =	sor.u32 $0x18, s21;
	s21 =	simm.s32 $0x8;
	s22 =	sor.u32 s22, s24;
	v9 =	vld.idx.msk [tilespmem:v3+s3+$0x0], $0xffff;
	v2 =	vor.u32 s26, v0  }
0x29: {  	v1 =	vor.u32 s25, v0;
	s23 =	sor.u32 $0x4, s22;
	s28 =	sor.u32 $0x1C, s22;
	s29 =	sor.u32 $0x8, s22;
	v7 =	vld.idx.msk [tilespmem:v5+s3+$0x0], $0xffff;
	v5 =	vor.u32 s22, v0  }
0x2a: {  	s30 =	sor.u32 $0x10, s22;
	s31 =	sor.u32 $0x14, s22;
	s26 =	sor.u32 $0xC, s22;
	v11 =	vld.idx.msk [tilespmem:v8+s3+$0x0], $0xffff;
	v10 =	vor.u32 s23, v0;
	v12 =	vor.u32 s28, v0;
	v8 =	vor.u32 s29, v0  }
0x2b: {  	s24 =	sor.u32 $0x18, s22;
	v15 =	vor.u32 s30, v0;
	v3 =	vor.u32 s31, v0;
	s23 =	simm.s32 $0x0;
	v14 =	vld.idx.msk [tilespmem:v14+s3+$0x0], $0xffff;
	s22 =	simm.s32 $0x200;
	v13 =	vor.u32 s26, v0  }
.LBB2_3:
0x2c: {  	s21 =	sadd.s32 $0x8, s21  }
0x2d: {  	v16 =	vor.u32 s24, v0;
	s16 =	sadd.s32 $0x4, s16;
	s17 =	sadd.s32 $0x200, s17;
	[tilespmem:s23+$0x8030] =	vst v6;
	v17 =	vld.idx.msk [tilespmem:v2+s3+$0x0], $0xffff;
	v2 =	vmov v15;
	s19 =	sadd.s32 $0x10, s19  }
0x2e: {  	s18 =	sadd.s32 $0x40, s18;
	s20 =	sadd.s32 $0x2000, s20;
	[tilespmem:s23+$0x8010] =	vst v9;
	v15 =	vld.idx.msk [tilespmem:v1+s3+$0x0], $0xffff;
	v1 =	vmov v16;
	s24 =	sand.u32 $0x40, s19  }
0x2f: {  	s25 =	sand.u32 $0x4000, s20;
	s26 =	sand.u32 $0x3C00, s18;
	s28 =	sand.u32 $0x20, s16;
	v16 =	vld.idx.msk [tilespmem:v5+s3+$0x0], $0xffff;
	[tilespmem:s23+$0x8070] =	vst v7  }
0x30: {  	p0 =	slt.u32 s21, $0x7F8;
	s25 =	sor.u32 s26, s25;
	s26 =	sand.u32 $0x200, s17;
	v6 =	vld.idx.msk [tilespmem:v13+s3+$0x0], $0xffff;
	[tilespmem:s23+$0x8020] =	vst v11  }
.Ltmp0:
0x31: {  	s24 =	sor.u32 s28, s24;
	s25 =	sor.u32 s26, s25;
	v9 =	vld.idx.msk [tilespmem:v10+s3+$0x0], $0xffff;
	[tilespmem:s23+$0x8000] =	vst v4;
	(pc) =	sbr.rel @p0 .LBB2_3-.Ltmp0, $4  }
0x32: {  	s24 =	sor.u32 s24, s25;
	v7 =	vld.idx.msk [tilespmem:v12+s3+$0x0], $0xffff;
	[tilespmem:s23+$0x8050] =	vst v14  }
0x33: {  	v5 =	vor.u32 s24, v0;
	s25 =	sor.u32 $0x4, s24;
	s26 =	sor.u32 $0xC, s24;
	s28 =	sor.u32 $0x1C, s24;
	v11 =	vld.idx.msk [tilespmem:v8+s3+$0x0], $0xffff;
	[tilespmem:s23+$0x8040] =	vst v17  }
0x34: {  	s29 =	sor.u32 $0x14, s24;
	v10 =	vor.u32 s25, v0;
	s25 =	sor.u32 $0x8, s24;
	v13 =	vor.u32 s26, v0;
	s26 =	sor.u32 $0x10, s24;
	v12 =	vor.u32 s28, v0;
	[tilespmem:s23+$0x8060] =	vst v15  }
0x35: {  	s24 =	sor.u32 $0x18, s24;
	v8 =	vor.u32 s25, v0;
	v15 =	vor.u32 s26, v0;
	s23 =	sshra.s32 s22, $0x2;
	v4 =	vmovc v16;
	s22 =	smov.u32 s17;
	v14 =	vld.idx.msk [tilespmem:v3+s3+$0x0], $0xffff;
	v3 =	vor.u32 s29, v0  }
0x36: {  	_ =	sdelay $0x2  }
0x37: {  	[tilespmem:s23+$0x8030] =	vst v6  }
0x38: {  	v2 =	vld.idx.msk [tilespmem:v2+s3+$0x0], $0xffff;
	[tilespmem:s23+$0x8010] =	vst v9  }
0x39: {  	v1 =	vld.idx.msk [tilespmem:v1+s3+$0x0], $0xffff;
	[tilespmem:s23+$0x8000] =	vst v4  }
0x3a: {  	v60 =	vld.idx.msk [tilespmem:v13+s3+$0x0], $0xffff;
	[tilespmem:s23+$0x8070] =	vst v7  }
0x3b: {  	v61 =	vld.idx.msk [tilespmem:v10+s3+$0x0], $0xffff;
	[tilespmem:s23+$0x8020] =	vst v11  }
0x3c: {  	v62 =	vor.u32 s24, v0;
	v63 =	vld.idx.msk [tilespmem:v12+s3+$0x0], $0xffff;
	[tilespmem:s23+$0x8050] =	vst v14  }
0x3d: {  	v8 =	vld.idx.msk [tilespmem:v8+s3+$0x0], $0xffff;
	[tilespmem:s23+$0x8040] =	vst v2  }
0x3e: {  	s16 =	sshra.s32 s22, $0x2;
	v2 =	vld.idx.msk [tilespmem:v5+s3+$0x0], $0xffff;
	[tilespmem:s23+$0x8060] =	vst v1  }
0x3f: {  	v1 =	vld.idx.msk [tilespmem:v3+s3+$0x0], $0xffff;
	[tilespmem:s16+$0x8030] =	vst v60  }
0x40: {  	v3 =	vld.idx.msk [tilespmem:v15+s3+$0x0], $0xffff;
	[tilespmem:s16+$0x8010] =	vst v61  }
0x41: {  	v4 =	vld.idx.msk [tilespmem:v62+s3+$0x0], $0xffff;
	[tilespmem:s16+$0x8070] =	vst v63  }
0x42: {  	[tilespmem:s16+$0x8020] =	vst v8  }
0x43: {  	s15 =	sshll.u32 s15, $0xC;
	[tilespmem:s16+$0x8000] =	vst v2  }
0x44: {  	s13 =	sshll.u32 s13, $0xD;
	s12 =	sadd.s32 $0x1, s12;
	s15 =	sadd.s32 s2, s15;
	[tilespmem:s16+$0x8050] =	vst v1  }
0x45: {  	p0 =	sne.s32 s12, $0x10;
	s13 =	sadd.s32 s13, s15;
	[tilespmem:s16+$0x8040] =	vst v3  }
.Ltmp1:
0x46: {  	s13 =	sadd.s32 s14, s13;
	[tilespmem:s16+$0x8060] =	vst v4;
	(pc) =	sbr.rel @p0 .LBB2_2-.Ltmp1, $4  }
0x47: {  	[hbm4b:s13+s3] =	stream.linear.scatter [tilespmem:s10], [sflag:$0x1], $0x8000, $0x38;
	[tilespmem:$0x10000] =	vst v63  }
0x48: {  	_ =	swait.ge [sflag:s8], $0x8000  }
0x49: {  	[sflag:s8] =	ssyncset.done $0x0  }
0x4a: {  	[sflag:s8] =	ssyncadd.s32 $0xFFFF8000  }
0x4b: {  	s11 =	sadd.s32 $0x1, s11  }
0x4c: {  	p0 =	sne.s32 s11, s7  }
.Ltmp2:
0x4d: {  	_ = 	snop;
	(pc) =	sbr.rel @p0 .LBB2_1-.Ltmp2, $1  }
0x4e: {  	_ =	sdelay $0x3  }
0x4f: {  	_ =	sfence.sel $0x180000  }
0x50: {  	[bflag:$0x0] =	sbarrier.arrive $0xFFFF  }
0x51: {  	p0 =	sne.s32 s4, $0x0;
	_ =	strace $0x90000047  }
0x52: {  	s0 =	sadd.s32 @!p0 $0x100000, s1;
	[bflag:$0x2] =	sbarrier.arrive $0xFFFF  }
0x53: {  	[sflag:s0] =	ssyncadd.tile.s32 @!p0 $0x1;
	_ =	shalt  }
.Lfunc_end2:
_tile_overlayer_lowered:
.L_overlay_start_2:
0x54: {  	(tag) =	ssettag $0x2  }
0x55: {  	s0 =	rddreg [dreg:$0x0];
	s2 =	stileid.u32  }
0x56: {  	s1 =	rddreg [dreg:$0x1];
	p0 =	sne.s32 s2, $0x0  }
0x57: {  	s3 =	rddreg [dreg:$0x2];
	[bflag:$0x3] =	sbarrier.arrive $0xFFFF;
	s2 =	simm.s32 @!p0 $0x1C01  }
0x58: {  	[timem:s3], [sflag:s2] =	dma.local @!p0 [hbm:s0], s1  }
0x59: {  	s0 =	simm.s32 @!p0 $0x1  }
0x5a: {  	_ =	swait.ge @!p0 [sflag:s0], s1  }
0x5b: {  	s1 =	ssub.s32 @!p0 $0x0, s1;
	[sflag:s0] =	ssyncset.done @!p0 $0x0  }
0x5c: {  	[sflag:s0] =	ssyncadd.s32 @!p0 s1  }
0x5d: {  	[bflag:$0x3] =	sbarrier.arrive $0xFFFF  }
0x5e: {  	_ =	shalt  }

</sc_bundles>
